<compile_context>
chip_gen: v7x
topology: tpu7x:2x2x1
jax: 0.10.2.dev20260603
libtpu: 0.0.44.dev20260713+nightly
codegen_flags: <defaults>
</compile_context>

<pallas_src>
import functools

import jax
import jax.numpy as jnp
from jax import lax
from jax.experimental import pallas as pl
from jax.experimental.pallas import tpu as pltpu
from jax.experimental.pallas import tpu_sc as plsc

NUM_DATASETS = 100
EMBED_DIM = 128
BATCH = 16384

_info = plsc.get_sparse_core_info()
_NC, _NS = _info.num_cores, _info.num_subcores
_NW = _NC * _NS
_B_PER_W = BATCH // _NW

_CHUNKS = (32, 96, 128, 128, 128)
assert sum(_CHUNKS) == _B_PER_W
_NCH = len(_CHUNKS)
_OFFS = tuple(sum(_CHUNKS[:i]) for i in range(_NCH))


def _build():
  mesh = plsc.VectorSubcoreMesh(core_axis_name="c", subcore_axis_name="s")

  scratch = (
      [
          pltpu.VMEM((_B_PER_W,), jnp.int32),
          pltpu.VMEM_SHARED((NUM_DATASETS, EMBED_DIM), jnp.float32),
      ]
      + [pltpu.VMEM((cs, EMBED_DIM), jnp.float32) for cs in _CHUNKS]
      + [pltpu.SemaphoreType.DMA for _ in range(_NCH)]
      + [pltpu.SemaphoreType.DMA, pltpu.SemaphoreType.DMA,
         pltpu.SemaphoreType.DMA]
  )

  @functools.partial(
      pl.kernel,
      mesh=mesh,
      out_type=jax.ShapeDtypeStruct((BATCH, EMBED_DIM), jnp.float32),
      scratch_types=scratch,
  )
  def gather_kernel(idx_hbm, table_hbm, out_hbm, *refs):
    idx_v = refs[0]
    table_sh = refs[1]
    bufs = refs[2 : 2 + _NCH]
    gsems = refs[2 + _NCH : 2 + 2 * _NCH]
    osems = refs[2 + 2 * _NCH : 4 + 2 * _NCH]
    isem = refs[4 + 2 * _NCH]

    sid = lax.axis_index("s")
    wid = sid * _NC + lax.axis_index("c")
    base = wid * _B_PER_W

    @pl.when(sid == 0)
    def _stage_table():
      pltpu.sync_copy(table_hbm, table_sh)

    idx_copy = pltpu.async_copy(idx_hbm.at[pl.ds(base, _B_PER_W)], idx_v, isem)
    plsc.subcore_barrier()
    idx_copy.wait()

    gathers = [
        pltpu.async_copy(
            table_sh.at[idx_v.at[pl.ds(_OFFS[c], _CHUNKS[c])]], bufs[c], gsems[c]
        )
        for c in range(_NCH)
    ]
    outs = []
    for c in range(_NCH):
      gathers[c].wait()
      outs.append(
          pltpu.async_copy(
              bufs[c], out_hbm.at[pl.ds(base + _OFFS[c], _CHUNKS[c])], osems[c % 2]
          )
      )
    for o in outs:
      o.wait()

  return gather_kernel


_gather = jax.jit(_build())


def kernel(dataset_indices, embedding_table):
  return _gather(dataset_indices, embedding_table)

# --- scband reference (transcript-rebuilt; emitter-appended) ---
"""Pipeline reference for scband-dataset-embedding-70609262346609 (READ-ONLY COPY).

The authoritative reference and input builder live on the scoring server;
editing this copy changes nothing except your own understanding.
"""

import jax, jax.numpy as jnp
import numpy as np

NUM_DATASETS = 100
EMBED_DIM = 128
BATCH = 16384


def setup_inputs(seed: int = 0) -> dict:
    key = jax.random.key(seed)
    k_idx, k_tab = jax.random.split(key)
    # dataset_names (List[str]) is mapped to integer indices via dataset_to_idx
    # inside the module; we materialize those indices directly.
    dataset_indices = jax.random.randint(k_idx, (BATCH,), 0, NUM_DATASETS)
    # nn.Embed default initializer: variance-scaling normal; approximate with
    # scaled normal (math is identical at runtime: a plain row gather).
    embedding_table = jax.random.normal(k_tab, (NUM_DATASETS, EMBED_DIM), dtype=jnp.float32) * 0.02
    return {"dataset_indices": dataset_indices, "embedding_table": embedding_table}


def reference(dataset_indices, embedding_table):
    # Faithful translation of DatasetEmbedding.__call__:
    # indices = [dataset_to_idx.get(name, 0) for name in dataset_names]  (precomputed)
    # return nn.Embed(num_embeddings, features)(indices) == table[indices]
    return jnp.take(embedding_table, dataset_indices, axis=0)

if __name__ == "__main__":
    import jax
    _d = setup_inputs()
    print(jax.jit(kernel)(*tuple(_d.values())))

</pallas_src>

<mosaic_0001>
#map = affine_map<(d0, d1) -> (0)>
#map1 = affine_map<(d0, d1) -> (0, 0)>
module attributes {stable_mosaic.version = 14 : i64} {
  func.func @gather_kernel(%arg0: i32, %arg1: i32, %arg2: memref<16384xi32, #tpu.memory_space<hbm>>, %arg3: memref<100x128xf32, #tpu.memory_space<hbm>>, %arg4: memref<16384x128xf32, #tpu.memory_space<hbm>>, %arg5: memref<512xi32, #tpu.memory_space<vmem>>, %arg6: memref<100x128xf32, #tpu.memory_space<vmem_shared>>, %arg7: memref<32x128xf32, #tpu.memory_space<vmem>>, %arg8: memref<96x128xf32, #tpu.memory_space<vmem>>, %arg9: memref<128x128xf32, #tpu.memory_space<vmem>>, %arg10: memref<128x128xf32, #tpu.memory_space<vmem>>, %arg11: memref<128x128xf32, #tpu.memory_space<vmem>>, %arg12: memref<!tpu.dma_semaphore, #tpu.memory_space<semaphore_mem>>, %arg13: memref<!tpu.dma_semaphore, #tpu.memory_space<semaphore_mem>>, %arg14: memref<!tpu.dma_semaphore, #tpu.memory_space<semaphore_mem>>, %arg15: memref<!tpu.dma_semaphore, #tpu.memory_space<semaphore_mem>>, %arg16: memref<!tpu.dma_semaphore, #tpu.memory_space<semaphore_mem>>, %arg17: memref<!tpu.dma_semaphore, #tpu.memory_space<semaphore_mem>>, %arg18: memref<!tpu.dma_semaphore, #tpu.memory_space<semaphore_mem>>, %arg19: memref<!tpu.dma_semaphore, #tpu.memory_space<semaphore_mem>>) attributes {dimension_semantics = [#tpu.dimension_semantics<core_parallel>, #tpu.dimension_semantics<subcore_parallel>], iteration_bounds = array<i64: 2, 16>, scalar_prefetch = 0 : i64, scratch_operands = 15 : i64, tpu.core_type = #tpu.core_type<sc_vector_subcore>, window_params = [{transform_indices = #map}, {transform_indices = #map1}, {transform_indices = #map1}]} {
    %mul3A = arith.constant 2 : i32
    %mul3A_0 = arith.muli %arg1, %mul3A : i32
    %add3A = arith.addi %mul3A_0, %arg0 : i32
    %mul3A_1 = arith.constant 512 : i32
    %mul3A_2 = arith.muli %add3A, %mul3A_1 : i32
    %eq3A = arith.constant 0 : i32
    %eq3A_3 = arith.cmpi eq, %arg1, %eq3A : i32
    %convert_element_type3A = arith.extui %eq3A_3 : i1 to i32
    %cond3A = arith.constant 0 : i32
    %cond3A_4 = arith.cmpi ne, %convert_element_type3A, %cond3A : i32
    scf.if %cond3A_4 {
      "tpu.region"() ({
        %run_scoped3A = tpu.sem_alloc : memref<!tpu.dma_semaphore, #tpu.memory_space<semaphore_mem>>
        tpu.enqueue_dma source(%arg3 : memref<100x128xf32, #tpu.memory_space<hbm>>) target(%arg6 : memref<100x128xf32, #tpu.memory_space<vmem_shared>>) target_semaphore(%run_scoped3A : memref<!tpu.dma_semaphore, #tpu.memory_space<semaphore_mem>>)
        tpu.wait_dma2 semaphore(%run_scoped3A : memref<!tpu.dma_semaphore, #tpu.memory_space<semaphore_mem>>) src(%arg3 : memref<100x128xf32, #tpu.memory_space<hbm>>) dst(%arg6 : memref<100x128xf32, #tpu.memory_space<vmem_shared>>)
        tpu.yield
      }) : () -> ()
    } else {
    }
    %dma_start3A = tpu.memref_slice %arg2[%mul3A_2] : memref<16384xi32, #tpu.memory_space<hbm>> -> memref<512xi32, #tpu.memory_space<hbm>>
    %dma_start3A_5 = tpu.memref_slice %arg2[%mul3A_2] : memref<16384xi32, #tpu.memory_space<hbm>> -> memref<512xi32, #tpu.memory_space<hbm>>
    tpu.enqueue_dma source(%dma_start3A_5 : memref<512xi32, #tpu.memory_space<hbm>>) target(%arg5 : memref<512xi32, #tpu.memory_space<vmem>>) target_semaphore(%arg19 : memref<!tpu.dma_semaphore, #tpu.memory_space<semaphore_mem>>)
    %barrier3A = arith.constant 0 : index
    tpu.barrier barrier_id(%barrier3A)
    %dma_wait3A = tpu.memref_slice %arg2[%mul3A_2] : memref<16384xi32, #tpu.memory_space<hbm>> -> memref<512xi32, #tpu.memory_space<hbm>>
    %dma_wait3A_6 = tpu.memref_slice %arg2[%mul3A_2] : memref<16384xi32, #tpu.memory_space<hbm>> -> memref<512xi32, #tpu.memory_space<hbm>>
    tpu.wait_dma2 semaphore(%arg19 : memref<!tpu.dma_semaphore, #tpu.memory_space<semaphore_mem>>) src(%dma_wait3A_6 : memref<512xi32, #tpu.memory_space<hbm>>) dst(%arg5 : memref<512xi32, #tpu.memory_space<vmem>>)
    %dma_start3A_7 = arith.constant 0 : i32
    %dma_start3A_8 = tpu.memref_slice %arg5[%dma_start3A_7] : memref<512xi32, #tpu.memory_space<vmem>> -> memref<32xi32, #tpu.memory_space<vmem>>
    %dma_start3A_9 = arith.constant 0 : i32
    %dma_start3A_10 = arith.constant 0 : i32
    %dma_start3A_11 = tpu.memref_slice %arg6[%dma_start3A_9, %dma_start3A_10] : memref<100x128xf32, #tpu.memory_space<vmem_shared>> -> memref<100x128xf32, #tpu.memory_space<vmem_shared>>
    tpu.enqueue_indirect_dma source(%dma_start3A_11 : memref<100x128xf32, #tpu.memory_space<vmem_shared>>) target(%arg7 : memref<32x128xf32, #tpu.memory_space<vmem>>) offsets(%dma_start3A_8 : memref<32xi32, #tpu.memory_space<vmem>>) semaphore(%arg12 : memref<!tpu.dma_semaphore, #tpu.memory_space<semaphore_mem>>)
    %dma_start3A_12 = arith.constant 32 : i32
    %dma_start3A_13 = tpu.memref_slice %arg5[%dma_start3A_12] : memref<512xi32, #tpu.memory_space<vmem>> -> memref<96xi32, #tpu.memory_space<vmem>>
    %dma_start3A_14 = arith.constant 0 : i32
    %dma_start3A_15 = arith.constant 0 : i32
    %dma_start3A_16 = tpu.memref_slice %arg6[%dma_start3A_14, %dma_start3A_15] : memref<100x128xf32, #tpu.memory_space<vmem_shared>> -> memref<100x128xf32, #tpu.memory_space<vmem_shared>>
    tpu.enqueue_indirect_dma source(%dma_start3A_16 : memref<100x128xf32, #tpu.memory_space<vmem_shared>>) target(%arg8 : memref<96x128xf32, #tpu.memory_space<vmem>>) offsets(%dma_start3A_13 : memref<96xi32, #tpu.memory_space<vmem>>) semaphore(%arg13 : memref<!tpu.dma_semaphore, #tpu.memory_space<semaphore_mem>>)
    %dma_start3A_17 = arith.constant 128 : i32
    %dma_start3A_18 = tpu.memref_slice %arg5[%dma_start3A_17] : memref<512xi32, #tpu.memory_space<vmem>> -> memref<128xi32, #tpu.memory_space<vmem>>
    %dma_start3A_19 = arith.constant 0 : i32
    %dma_start3A_20 = arith.constant 0 : i32
    %dma_start3A_21 = tpu.memref_slice %arg6[%dma_start3A_19, %dma_start3A_20] : memref<100x128xf32, #tpu.memory_space<vmem_shared>> -> memref<100x128xf32, #tpu.memory_space<vmem_shared>>
    tpu.enqueue_indirect_dma source(%dma_start3A_21 : memref<100x128xf32, #tpu.memory_space<vmem_shared>>) target(%arg9 : memref<128x128xf32, #tpu.memory_space<vmem>>) offsets(%dma_start3A_18 : memref<128xi32, #tpu.memory_space<vmem>>) semaphore(%arg14 : memref<!tpu.dma_semaphore, #tpu.memory_space<semaphore_mem>>)
    %dma_start3A_22 = arith.constant 256 : i32
    %dma_start3A_23 = tpu.memref_slice %arg5[%dma_start3A_22] : memref<512xi32, #tpu.memory_space<vmem>> -> memref<128xi32, #tpu.memory_space<vmem>>
    %dma_start3A_24 = arith.constant 0 : i32
    %dma_start3A_25 = arith.constant 0 : i32
    %dma_start3A_26 = tpu.memref_slice %arg6[%dma_start3A_24, %dma_start3A_25] : memref<100x128xf32, #tpu.memory_space<vmem_shared>> -> memref<100x128xf32, #tpu.memory_space<vmem_shared>>
    tpu.enqueue_indirect_dma source(%dma_start3A_26 : memref<100x128xf32, #tpu.memory_space<vmem_shared>>) target(%arg10 : memref<128x128xf32, #tpu.memory_space<vmem>>) offsets(%dma_start3A_23 : memref<128xi32, #tpu.memory_space<vmem>>) semaphore(%arg15 : memref<!tpu.dma_semaphore, #tpu.memory_space<semaphore_mem>>)
    %dma_start3A_27 = arith.constant 384 : i32
    %dma_start3A_28 = tpu.memref_slice %arg5[%dma_start3A_27] : memref<512xi32, #tpu.memory_space<vmem>> -> memref<128xi32, #tpu.memory_space<vmem>>
    %dma_start3A_29 = arith.constant 0 : i32
    %dma_start3A_30 = arith.constant 0 : i32
    %dma_start3A_31 = tpu.memref_slice %arg6[%dma_start3A_29, %dma_start3A_30] : memref<100x128xf32, #tpu.memory_space<vmem_shared>> -> memref<100x128xf32, #tpu.memory_space<vmem_shared>>
    tpu.enqueue_indirect_dma source(%dma_start3A_31 : memref<100x128xf32, #tpu.memory_space<vmem_shared>>) target(%arg11 : memref<128x128xf32, #tpu.memory_space<vmem>>) offsets(%dma_start3A_28 : memref<128xi32, #tpu.memory_space<vmem>>) semaphore(%arg16 : memref<!tpu.dma_semaphore, #tpu.memory_space<semaphore_mem>>)
    %dma_wait3A_32 = arith.constant 0 : i32
    %dma_wait3A_33 = tpu.memref_slice %arg5[%dma_wait3A_32] : memref<512xi32, #tpu.memory_space<vmem>> -> memref<32xi32, #tpu.memory_space<vmem>>
    %dma_wait3A_34 = arith.constant 0 : i32
    %dma_wait3A_35 = arith.constant 0 : i32
    %dma_wait3A_36 = tpu.memref_slice %arg6[%dma_wait3A_34, %dma_wait3A_35] : memref<100x128xf32, #tpu.memory_space<vmem_shared>> -> memref<100x128xf32, #tpu.memory_space<vmem_shared>>
    tpu.wait_indirect_dma semaphore(%arg12 : memref<!tpu.dma_semaphore, #tpu.memory_space<semaphore_mem>>) src(%dma_wait3A_36 : memref<100x128xf32, #tpu.memory_space<vmem_shared>>) dst(%arg7 : memref<32x128xf32, #tpu.memory_space<vmem>>)
    %add3A_37 = arith.constant 0 : i32
    %add3A_38 = arith.addi %mul3A_2, %add3A_37 : i32
    %dma_start3A_39 = arith.constant 0 : i32
    %dma_start3A_40 = tpu.memref_slice %arg4[%add3A_38, %dma_start3A_39] : memref<16384x128xf32, #tpu.memory_space<hbm>> -> memref<32x128xf32, #tpu.memory_space<hbm>>
    %dma_start3A_41 = arith.constant 0 : i32
    %dma_start3A_42 = tpu.memref_slice %arg4[%add3A_38, %dma_start3A_41] : memref<16384x128xf32, #tpu.memory_space<hbm>> -> memref<32x128xf32, #tpu.memory_space<hbm>>
    tpu.enqueue_dma source(%arg7 : memref<32x128xf32, #tpu.memory_space<vmem>>) target(%dma_start3A_42 : memref<32x128xf32, #tpu.memory_space<hbm>>) target_semaphore(%arg17 : memref<!tpu.dma_semaphore, #tpu.memory_space<semaphore_mem>>)
    %dma_wait3A_43 = arith.constant 32 : i32
    %dma_wait3A_44 = tpu.memref_slice %arg5[%dma_wait3A_43] : memref<512xi32, #tpu.memory_space<vmem>> -> memref<96xi32, #tpu.memory_space<vmem>>
    %dma_wait3A_45 = arith.constant 0 : i32
    %dma_wait3A_46 = arith.constant 0 : i32
    %dma_wait3A_47 = tpu.memref_slice %arg6[%dma_wait3A_45, %dma_wait3A_46] : memref<100x128xf32, #tpu.memory_space<vmem_shared>> -> memref<100x128xf32, #tpu.memory_space<vmem_shared>>
    tpu.wait_indirect_dma semaphore(%arg13 : memref<!tpu.dma_semaphore, #tpu.memory_space<semaphore_mem>>) src(%dma_wait3A_47 : memref<100x128xf32, #tpu.memory_space<vmem_shared>>) dst(%arg8 : memref<96x128xf32, #tpu.memory_space<vmem>>)
    %add3A_48 = arith.constant 32 : i32
    %add3A_49 = arith.addi %mul3A_2, %add3A_48 : i32
    %dma_start3A_50 = arith.constant 0 : i32
    %dma_start3A_51 = tpu.memref_slice %arg4[%add3A_49, %dma_start3A_50] : memref<16384x128xf32, #tpu.memory_space<hbm>> -> memref<96x128xf32, #tpu.memory_space<hbm>>
    %dma_start3A_52 = arith.constant 0 : i32
    %dma_start3A_53 = tpu.memref_slice %arg4[%add3A_49, %dma_start3A_52] : memref<16384x128xf32, #tpu.memory_space<hbm>> -> memref<96x128xf32, #tpu.memory_space<hbm>>
    tpu.enqueue_dma source(%arg8 : memref<96x128xf32, #tpu.memory_space<vmem>>) target(%dma_start3A_53 : memref<96x128xf32, #tpu.memory_space<hbm>>) target_semaphore(%arg18 : memref<!tpu.dma_semaphore, #tpu.memory_space<semaphore_mem>>)
    %dma_wait3A_54 = arith.constant 128 : i32
    %dma_wait3A_55 = tpu.memref_slice %arg5[%dma_wait3A_54] : memref<512xi32, #tpu.memory_space<vmem>> -> memref<128xi32, #tpu.memory_space<vmem>>
    %dma_wait3A_56 = arith.constant 0 : i32
    %dma_wait3A_57 = arith.constant 0 : i32
    %dma_wait3A_58 = tpu.memref_slice %arg6[%dma_wait3A_56, %dma_wait3A_57] : memref<100x128xf32, #tpu.memory_space<vmem_shared>> -> memref<100x128xf32, #tpu.memory_space<vmem_shared>>
    tpu.wait_indirect_dma semaphore(%arg14 : memref<!tpu.dma_semaphore, #tpu.memory_space<semaphore_mem>>) src(%dma_wait3A_58 : memref<100x128xf32, #tpu.memory_space<vmem_shared>>) dst(%arg9 : memref<128x128xf32, #tpu.memory_space<vmem>>)
    %add3A_59 = arith.constant 128 : i32
    %add3A_60 = arith.addi %mul3A_2, %add3A_59 : i32
    %dma_start3A_61 = arith.constant 0 : i32
    %dma_start3A_62 = tpu.memref_slice %arg4[%add3A_60, %dma_start3A_61] : memref<16384x128xf32, #tpu.memory_space<hbm>> -> memref<128x128xf32, #tpu.memory_space<hbm>>
    %dma_start3A_63 = arith.constant 0 : i32
    %dma_start3A_64 = tpu.memref_slice %arg4[%add3A_60, %dma_start3A_63] : memref<16384x128xf32, #tpu.memory_space<hbm>> -> memref<128x128xf32, #tpu.memory_space<hbm>>
    tpu.enqueue_dma source(%arg9 : memref<128x128xf32, #tpu.memory_space<vmem>>) target(%dma_start3A_64 : memref<128x128xf32, #tpu.memory_space<hbm>>) target_semaphore(%arg17 : memref<!tpu.dma_semaphore, #tpu.memory_space<semaphore_mem>>)
    %dma_wait3A_65 = arith.constant 256 : i32
    %dma_wait3A_66 = tpu.memref_slice %arg5[%dma_wait3A_65] : memref<512xi32, #tpu.memory_space<vmem>> -> memref<128xi32, #tpu.memory_space<vmem>>
    %dma_wait3A_67 = arith.constant 0 : i32
    %dma_wait3A_68 = arith.constant 0 : i32
    %dma_wait3A_69 = tpu.memref_slice %arg6[%dma_wait3A_67, %dma_wait3A_68] : memref<100x128xf32, #tpu.memory_space<vmem_shared>> -> memref<100x128xf32, #tpu.memory_space<vmem_shared>>
    tpu.wait_indirect_dma semaphore(%arg15 : memref<!tpu.dma_semaphore, #tpu.memory_space<semaphore_mem>>) src(%dma_wait3A_69 : memref<100x128xf32, #tpu.memory_space<vmem_shared>>) dst(%arg10 : memref<128x128xf32, #tpu.memory_space<vmem>>)
    %add3A_70 = arith.constant 256 : i32
    %add3A_71 = arith.addi %mul3A_2, %add3A_70 : i32
    %dma_start3A_72 = arith.constant 0 : i32
    %dma_start3A_73 = tpu.memref_slice %arg4[%add3A_71, %dma_start3A_72] : memref<16384x128xf32, #tpu.memory_space<hbm>> -> memref<128x128xf32, #tpu.memory_space<hbm>>
    %dma_start3A_74 = arith.constant 0 : i32
    %dma_start3A_75 = tpu.memref_slice %arg4[%add3A_71, %dma_start3A_74] : memref<16384x128xf32, #tpu.memory_space<hbm>> -> memref<128x128xf32, #tpu.memory_space<hbm>>
    tpu.enqueue_dma source(%arg10 : memref<128x128xf32, #tpu.memory_space<vmem>>) target(%dma_start3A_75 : memref<128x128xf32, #tpu.memory_space<hbm>>) target_semaphore(%arg18 : memref<!tpu.dma_semaphore, #tpu.memory_space<semaphore_mem>>)
    %dma_wait3A_76 = arith.constant 384 : i32
    %dma_wait3A_77 = tpu.memref_slice %arg5[%dma_wait3A_76] : memref<512xi32, #tpu.memory_space<vmem>> -> memref<128xi32, #tpu.memory_space<vmem>>
    %dma_wait3A_78 = arith.constant 0 : i32
    %dma_wait3A_79 = arith.constant 0 : i32
    %dma_wait3A_80 = tpu.memref_slice %arg6[%dma_wait3A_78, %dma_wait3A_79] : memref<100x128xf32, #tpu.memory_space<vmem_shared>> -> memref<100x128xf32, #tpu.memory_space<vmem_shared>>
    tpu.wait_indirect_dma semaphore(%arg16 : memref<!tpu.dma_semaphore, #tpu.memory_space<semaphore_mem>>) src(%dma_wait3A_80 : memref<100x128xf32, #tpu.memory_space<vmem_shared>>) dst(%arg11 : memref<128x128xf32, #tpu.memory_space<vmem>>)
    %add3A_81 = arith.constant 384 : i32
    %add3A_82 = arith.addi %mul3A_2, %add3A_81 : i32
    %dma_start3A_83 = arith.constant 0 : i32
    %dma_start3A_84 = tpu.memref_slice %arg4[%add3A_82, %dma_start3A_83] : memref<16384x128xf32, #tpu.memory_space<hbm>> -> memref<128x128xf32, #tpu.memory_space<hbm>>
    %dma_start3A_85 = arith.constant 0 : i32
    %dma_start3A_86 = tpu.memref_slice %arg4[%add3A_82, %dma_start3A_85] : memref<16384x128xf32, #tpu.memory_space<hbm>> -> memref<128x128xf32, #tpu.memory_space<hbm>>
    tpu.enqueue_dma source(%arg11 : memref<128x128xf32, #tpu.memory_space<vmem>>) target(%dma_start3A_86 : memref<128x128xf32, #tpu.memory_space<hbm>>) target_semaphore(%arg17 : memref<!tpu.dma_semaphore, #tpu.memory_space<semaphore_mem>>)
    %dma_wait3A_87 = arith.constant 0 : i32
    %dma_wait3A_88 = tpu.memref_slice %arg4[%add3A_38, %dma_wait3A_87] : memref<16384x128xf32, #tpu.memory_space<hbm>> -> memref<32x128xf32, #tpu.memory_space<hbm>>
    %dma_wait3A_89 = arith.constant 0 : i32
    %dma_wait3A_90 = tpu.memref_slice %arg4[%add3A_38, %dma_wait3A_89] : memref<16384x128xf32, #tpu.memory_space<hbm>> -> memref<32x128xf32, #tpu.memory_space<hbm>>
    tpu.wait_dma2 semaphore(%arg17 : memref<!tpu.dma_semaphore, #tpu.memory_space<semaphore_mem>>) src(%arg7 : memref<32x128xf32, #tpu.memory_space<vmem>>) dst(%dma_wait3A_90 : memref<32x128xf32, #tpu.memory_space<hbm>>)
    %dma_wait3A_91 = arith.constant 0 : i32
    %dma_wait3A_92 = tpu.memref_slice %arg4[%add3A_49, %dma_wait3A_91] : memref<16384x128xf32, #tpu.memory_space<hbm>> -> memref<96x128xf32, #tpu.memory_space<hbm>>
    %dma_wait3A_93 = arith.constant 0 : i32
    %dma_wait3A_94 = tpu.memref_slice %arg4[%add3A_49, %dma_wait3A_93] : memref<16384x128xf32, #tpu.memory_space<hbm>> -> memref<96x128xf32, #tpu.memory_space<hbm>>
    tpu.wait_dma2 semaphore(%arg18 : memref<!tpu.dma_semaphore, #tpu.memory_space<semaphore_mem>>) src(%arg8 : memref<96x128xf32, #tpu.memory_space<vmem>>) dst(%dma_wait3A_94 : memref<96x128xf32, #tpu.memory_space<hbm>>)
    %dma_wait3A_95 = arith.constant 0 : i32
    %dma_wait3A_96 = tpu.memref_slice %arg4[%add3A_60, %dma_wait3A_95] : memref<16384x128xf32, #tpu.memory_space<hbm>> -> memref<128x128xf32, #tpu.memory_space<hbm>>
    %dma_wait3A_97 = arith.constant 0 : i32
    %dma_wait3A_98 = tpu.memref_slice %arg4[%add3A_60, %dma_wait3A_97] : memref<16384x128xf32, #tpu.memory_space<hbm>> -> memref<128x128xf32, #tpu.memory_space<hbm>>
    tpu.wait_dma2 semaphore(%arg17 : memref<!tpu.dma_semaphore, #tpu.memory_space<semaphore_mem>>) src(%arg9 : memref<128x128xf32, #tpu.memory_space<vmem>>) dst(%dma_wait3A_98 : memref<128x128xf32, #tpu.memory_space<hbm>>)
    %dma_wait3A_99 = arith.constant 0 : i32
    %dma_wait3A_100 = tpu.memref_slice %arg4[%add3A_71, %dma_wait3A_99] : memref<16384x128xf32, #tpu.memory_space<hbm>> -> memref<128x128xf32, #tpu.memory_space<hbm>>
    %dma_wait3A_101 = arith.constant 0 : i32
    %dma_wait3A_102 = tpu.memref_slice %arg4[%add3A_71, %dma_wait3A_101] : memref<16384x128xf32, #tpu.memory_space<hbm>> -> memref<128x128xf32, #tpu.memory_space<hbm>>
    tpu.wait_dma2 semaphore(%arg18 : memref<!tpu.dma_semaphore, #tpu.memory_space<semaphore_mem>>) src(%arg10 : memref<128x128xf32, #tpu.memory_space<vmem>>) dst(%dma_wait3A_102 : memref<128x128xf32, #tpu.memory_space<hbm>>)
    %dma_wait3A_103 = arith.constant 0 : i32
    %dma_wait3A_104 = tpu.memref_slice %arg4[%add3A_82, %dma_wait3A_103] : memref<16384x128xf32, #tpu.memory_space<hbm>> -> memref<128x128xf32, #tpu.memory_space<hbm>>
    %dma_wait3A_105 = arith.constant 0 : i32
    %dma_wait3A_106 = tpu.memref_slice %arg4[%add3A_82, %dma_wait3A_105] : memref<16384x128xf32, #tpu.memory_space<hbm>> -> memref<128x128xf32, #tpu.memory_space<hbm>>
    tpu.wait_dma2 semaphore(%arg17 : memref<!tpu.dma_semaphore, #tpu.memory_space<semaphore_mem>>) src(%arg11 : memref<128x128xf32, #tpu.memory_space<vmem>>) dst(%dma_wait3A_106 : memref<128x128xf32, #tpu.memory_space<hbm>>)
    return
  }
}

</mosaic_0001>

<sc_bundles>
// kernel: wrapper.3.cloned.1.call-start
scs
__scs_entry_jumppad:
0x0: {  	(pc) =	sbr.rel $0x88, $3  }
0x1: {  	(tag) =	ssettag $0x0;
	lr =	simm.s32 $0x1  }
0x2: {  	[smem:$0x3F9F] =	sst lr;
	_ =	strace $0xD0000000  }
0x3: {  	_ = 	snop  }
0x4: {  	_ = 	snop  }
0x5: {  	_ = 	snop  }
0x6: {  	_ = 	snop  }
0x7: {  	_ = 	snop  }
__scs_overlays_trampoline_lowered:
0x8: {  	[smem:$0x3FAE] =	sst s0  }
0x9: {  	[smem:$0x3FAF] =	sst s1  }
0xa: {  	[smem:$0x3FB0] =	sst s2  }
0xb: {  	[smem:$0x3FB1] =	sst s3  }
0xc: {  	[smem:$0x3FB2] =	sst s4  }
0xd: {  	[smem:$0x3FB3] =	sst s5  }
0xe: {  	[smem:$0x3FB4] =	sst s6  }
0xf: {  	[smem:$0x3FB5] =	sst s7  }
0x10: {  	[smem:$0x3FB6] =	sst s8  }
0x11: {  	[smem:$0x3FB7] =	sst s9;
	s0 =	simm.s32 @!p0 $0x0  }
0x12: {  	s1 =	sld [smem:$0x3F9D];
	s0 =	simm.s32 @p0 $0x1  }
0x13: {  	[smem:$0x3FB8] =	sst s0;
	s0 =	simm.s32 @!p1 $0x0  }
0x14: {  	s2 =	sld [smem:$0x3F9C];
	s0 =	simm.s32 @p1 $0x1  }
0x15: {  	[smem:$0x3FB9] =	sst s0;
	s0 =	simm.s32 @!p2 $0x0  }
0x16: {  	s3 =	sld [smem:$0x3FDB];
	s0 =	simm.s32 @p2 $0x1  }
0x17: {  	s4 =	simm.s32 $0x1BF5;
	[smem:$0x3FBB] =	sst s0  }
0x18: {  	s0 =	sld [smem:$0x3F9E];
	_ =	swait.ge [sflag:s4], $0x0  }
0x19: {  	s7 =	sld [smem:$0x3F9F]  }
0x1a: {  	s8 =	sadd.s32 $0xFFFFE003, lr  }
0x1b: {  	s9 =	sadd.s32 $0xFFFFFEF7, lr;
	s5 =	simm.s32 $0xFFFFFFFF;
	p2 =	slt.u32 s8, $0xFFFFF086  }
0x1c: {  	p1 =	slt.u32 s9, $0xF7A;
	s5 =	simm.s32 @!p2 $0x0  }
0x1d: {  	s5 =	simm.s32 @p1 $0x1;
	p0 =	seq.s32 s7, s2  }
0x1e: {  	s7 =	smul.u32 @!p0 $0xF7A, s2;
	p2 =	seq.s32 @!p0 s5, $0x0  }
0x1f: {  	s9 =	smul.u32 $0xF7A, s1;
	s8 =	simm.s32 @!p0 $0x1BF5;
	p2 =	por !p2, p0  }
0x20: {  	[sflag:s8] =	ssyncset.s32 @!p0 $0xFFFFF086;
	s6 =	sadd.s32 @!p0 s3, s7;
	s7 =	simm.s32 @!p0 $0x108  }
0x21: {  	s3 =	sadd.s32 s3, s9;
	s6 =	sadd.s32 @!p0 $0x88, s6;
	s7 =	simm.s32 @p2 $0x1082  }
0x22: {  	[simem:s7], [sflag:s8] =	dma.local @!p0 [hbm:s6], $0xF7A  }
0x23: {  	s9 =	sor.u32 $0xD0000000, s2;
	s6 =	simm.s32 $0x108;
	_ =	swait.ge @!p0 [sflag:s8], $0x0  }
0x24: {  	s3 =	sadd.s32 $0x88, s3;
	s6 =	simm.s32 @!p1 $0x1082;
	[sflag:s4] =	ssyncset.s32 $0xFFFFF086  }
0x25: {  	[simem:s6], [sflag:s4] =	dma.local [hbm:s3], $0xF7A  }
0x26: {  	[smem:$0x3F9F] =	sst s1;
	(tag) =	ssettag s2;
	_ =	strace s9  }
0x27: {  	s1 =	sld [smem:$0x3FAF]  }
0x28: {  	s2 =	sld [smem:$0x3FB0]  }
0x29: {  	s4 =	sld [smem:$0x3FB2]  }
0x2a: {  	p0 =	seq.s32 s5, $0x0;
	s5 =	sld [smem:$0x3FB3]  }
0x2b: {  	s6 =	sld [smem:$0x3FB4]  }
0x2c: {  	s7 =	sld [smem:$0x3FB5]  }
0x2d: {  	s3 =	simm.s32 $0x108;
	s8 =	sld [smem:$0x3FB6]  }
0x2e: {  	s3 =	simm.s32 @!p0 $0x1082;
	s9 =	sld [smem:$0x3FB7]  }
0x2f: {  	lr =	sadd.s32 s0, s3;
	s0 =	sld [smem:$0x3FAE]  }
0x30: {  	s3 =	sld [smem:$0x3FB1]  }
0x31: {  	[smem:$0x3FBA] =	sst s10  }
0x32: {  	s10 =	sld [smem:$0x3FB8];
	_ =	sdelay $0x3  }
0x33: {  	p0 =	seq.s32 s10, $0x1;
	s10 =	sld [smem:$0x3FBA];
	_ =	sdelay $0x3  }
0x34: {  	[smem:$0x3FBA] =	sst s10  }
0x35: {  	s10 =	sld [smem:$0x3FB9];
	_ =	sdelay $0x3  }
0x36: {  	p1 =	seq.s32 s10, $0x1;
	s10 =	sld [smem:$0x3FBA];
	_ =	sdelay $0x3  }
0x37: {  	[smem:$0x3FBA] =	sst s10  }
0x38: {  	s10 =	sld [smem:$0x3FBB]  }
0x39: {  	_ = 	snop;
	(pc) =	sbr.ind lr, $3  }
0x3a: {  	_ = 	snop  }
0x3b: {  	_ = 	snop  }
0x3c: {  	p2 =	seq.s32 s10, $0x1;
	s10 =	sld [smem:$0x3FBA]  }
0x3d: {  	_ =	shalt  }
0x3e: {  	_ =	shalt  }
0x3f: {  	_ =	shalt  }
0x40: {  	_ =	shalt  }
0x41: {  	_ =	shalt  }
0x42: {  	_ =	shalt  }
0x43: {  	_ =	shalt  }
0x44: {  	_ =	shalt  }
0x45: {  	_ =	shalt  }
0x46: {  	_ =	shalt  }
0x47: {  	_ =	shalt  }
0x48: {  	_ =	shalt  }
0x49: {  	_ =	shalt  }
0x4a: {  	_ =	shalt  }
0x4b: {  	_ =	shalt  }
0x4c: {  	_ =	shalt  }
0x4d: {  	_ =	shalt  }
0x4e: {  	_ =	shalt  }
0x4f: {  	_ =	shalt  }
0x50: {  	_ =	shalt  }
0x51: {  	_ =	shalt  }
0x52: {  	_ =	shalt  }
0x53: {  	_ =	shalt  }
0x54: {  	_ =	shalt  }
0x55: {  	_ =	shalt  }
0x56: {  	_ =	shalt  }
0x57: {  	_ =	shalt  }
0x58: {  	_ =	shalt  }
0x59: {  	_ =	shalt  }
0x5a: {  	_ =	shalt  }
0x5b: {  	_ =	shalt  }
0x5c: {  	_ =	shalt  }
0x5d: {  	_ =	shalt  }
0x5e: {  	_ =	shalt  }
0x5f: {  	_ =	shalt  }
0x60: {  	_ =	shalt  }
0x61: {  	_ =	shalt  }
0x62: {  	_ =	shalt  }
0x63: {  	_ =	shalt  }
0x64: {  	_ =	shalt  }
0x65: {  	_ =	shalt  }
0x66: {  	_ =	shalt  }
0x67: {  	_ =	shalt  }
0x68: {  	_ =	shalt  }
0x69: {  	_ =	shalt  }
0x6a: {  	_ =	shalt  }
0x6b: {  	_ =	shalt  }
0x6c: {  	_ =	shalt  }
0x6d: {  	_ =	shalt  }
0x6e: {  	_ =	shalt  }
0x6f: {  	_ =	shalt  }
0x70: {  	_ =	shalt  }
0x71: {  	_ =	shalt  }
0x72: {  	_ =	shalt  }
0x73: {  	_ =	shalt  }
0x74: {  	_ =	shalt  }
0x75: {  	_ =	shalt  }
0x76: {  	_ =	shalt  }
0x77: {  	_ =	shalt  }
0x78: {  	_ =	shalt  }
0x79: {  	_ =	shalt  }
0x7a: {  	_ =	shalt  }
0x7b: {  	_ =	shalt  }
0x7c: {  	_ =	shalt  }
0x7d: {  	_ =	shalt  }
0x7e: {  	_ =	shalt  }
0x7f: {  	_ =	shalt  }
0x80: {  	_ =	shalt  }
0x81: {  	_ =	shalt  }
0x82: {  	_ =	shalt  }
0x83: {  	_ =	shalt  }
0x84: {  	_ =	shalt  }
0x85: {  	_ =	shalt  }
0x86: {  	_ =	shalt  }
0x87: {  	_ =	shalt  }
.Lfunc_end0:
.L_simem_size_0:
called_computation_lowered:
.L_overlay_start_0:
0x88: {  	s2 =	sld [smem:$0x3FD9]  }
0x89: {  	s3 =	sld [smem:$0x3FFE];
	_ =	sdelay $0x1  }
0x8a: {  	s1 =	srdreg.scid  }
0x8b: {  	s0 =	sand.u32 $0x1, s1  }
0x8c: {  	s18 =	sshll.u32 s0, $0xA;
	s2 =	sadd.s32 s3, s2  }
0x8d: {  	s2 =	sadd.s32 s2, s18  }
0x8e: {  	[smem:$0x3FC6] =	sst s2  }
0x8f: {  	_ = 	snop  }
0x90: {  	s2 =	sld [smem:$0x3FC9]  }
0x91: {  	s19 =	sld [smem:$0x3FC8]  }
0x92: {  	s4 =	sld [smem:$0x3FD0];
	(tm) =	ssettm $0x1  }
0x93: {  	s5 =	sld [smem:$0x3FFB];
	_ =	sdelay $0x3  }
0x94: {  	_ =	strace s5  }
0x95: {  	s5 =	sld [smem:$0x3FFC];
	_ =	sdelay $0x3  }
0x96: {  	_ =	strace s5  }
0x97: {  	s5 =	sld [smem:$0x3FFD];
	_ =	sdelay $0x3  }
0x98: {  	_ =	strace s5  }
0x99: {  	_ =	strace $0x8FFFFFFF  }
0x9a: {  	s20 =	sld [smem:$0x3FDB];
	_ =	sdelay $0x1  }
0x9b: {  	s6 =	simm.s32 $_scs_section_size  }
0x9c: {  	s7 =	simm.s32 $_size__tile_overlayer_lowered;
	s8 =	simm.s32 $_tile_overlayer_lowered  }
0x9d: {  	s23 =	simm.s32 $0x1BFF;
	s22 =	sshll.u32 s8, $0x1;
	s5 =	sadd.s32 s6, s20  }
0x9e: {  	s9 =	simm.s32 $0x0;
	s21 =	sshll.u32 s7, $0x1;
	s7 =	sadd.s32 s22, s5  }
0x9f: {  	[timem:s9], [sflag:s23] =	dma.local [hbm:s7], s21  }
0xa0: {  	_ =	swait.ge [sflag:s23], s21  }
0xa1: {  	s6 =	ssub.s32 $0x0, s21;
	[sflag:s23] =	ssyncset.done $0x0  }
0xa2: {  	[sflag:s23] =	ssyncadd.s32 s6;
	_ =	sdelay $0x1  }
0xa3: {  	s24 =	simm.s32 $0x1B8B  }
0xa4: {  	_ =	swait.ge [sflag:s24], $0x1  }
0xa5: {  	[sflag:s24] =	ssyncset.done $0x0  }
0xa6: {  	s25 =	simm.s32 $0x1B8E;
	[sflag:s24] =	ssyncadd.s32 $0xFFFFFFFF  }
0xa7: {  	s26 =	simm.s32 $execute0_lowered;
	[smem:$0x3FD2] =	sst s25  }
0xa8: {  	s6 =	sshll.u32 s26, $0x1;
	_ =	strace $0x80000046;
	[dreg:$0x1] =	wrdreg $0xFFFFFFFF  }
0xa9: {  	s28 =	simm.s32 $_size_execute0_lowered;
	s5 =	sadd.s32 s5, s6;
	[dreg:$0x0] =	wrdreg $0x0  }
0xaa: {  	s6 =	sshll.u32 s28, $0x1;
	[dreg:$0x2] =	wrdreg s5  }
0xab: {  	[dreg:$0x3] =	wrdreg s6  }
0xac: {  	[dreg:$0x4] =	wrdreg $0xC0  }
0xad: {  	_ =	task [dreg:s9], $0x5FFFF  }
0xae: {  	[dreg:$0x1] =	wrdreg $0xFFFFFFFF  }
0xaf: {  	[dreg:$0x0] =	wrdreg $0x60  }
0xb0: {  	[dreg:$0x2] =	wrdreg s2  }
0xb1: {  	[dreg:$0x3] =	wrdreg s19  }
0xb2: {  	[dreg:$0x4] =	wrdreg s4  }
0xb3: {  	[dreg:$0x5] =	wrdreg $0x2000  }
0xb4: {  	[dreg:$0x6] =	wrdreg $0x9  }
0xb5: {  	_ =	task.clear_ibuf [dreg:s9], $0x7FFFF;
	_ =	strace $0x90000046  }
0xb6: {  	s29 =	simm.s32 $0x9;
	_ =	strace $0x80000048  }
0xb7: {  	_ =	swait.ge [sflag:s29], $0x1  }
0xb8: {  	[sflag:s29] =	ssyncadd.s32 $0xFFFFFFFF  }
0xb9: {  	_ =	strace $0x90000048  }
0xba: {  	_ =	sfence  }
0xbb: {  	s30 =	sld [smem:$0x0];
	_ =	sdelay $0x2  }
0xbc: {  	s31 =	sshll.u32 s1, $0xD;
	s1 =	sshrl.u32 s1, $0x2  }
0xbd: {  	s3 =	sand.u32 $0x4000, s31;
	s1 =	sadd.s32 s1, s30  }
0xbe: {  	s0 =	sor.u32 s3, s0;
	s1 =	sshll.u32 s1, $0x11  }
0xbf: {  	s0 =	sor.u32 s1, s0  }
0xc0: {  	s0 =	sadd.s32 $0x8F2B, s0  }
0xc1: {  	[sflag:s0] =	ssyncadd.remote.s32 $0x1  }
0xc2: {  	_ =	sfence.sel $0xFFFF  }
0xc3: {  	[dreg:$0x0] =	wrdreg $0xFFFFFFFF;
	(pc) =	sbr.abs _section_cstart, $3  }
0xc4: {  	[dreg:$0x1] =	wrdreg $0xFFFFFFFF  }
0xc5: {  	_ =	task.clear_ibuf [dreg:s9], $0x2FFFF;
	_ =	strace $0x9FFFFFFF  }
0xc6: {  	(tm) =	ssettm $0x7FFFFFFF  }
0xc7: {  	_ =	shalt  }
tec
execute0_lowered:
.L_overlay_start_1:
0x0: {  	(tag) =	ssettag $0x1  }
0x1: {  	s6 =	rddreg [dreg:$0x0]  }
0x2: {  	s0 =	rddreg [dreg:$0x1]  }
0x3: {  	s19 =	rddreg [dreg:$0x2]  }
0x4: {  	s1 =	rddreg [dreg:$0x3]  }
0x5: {  	s2 =	simm.s32 $0x0;
	s3 =	srdreg.scid;
	[dreg:$0x5] =	wrdreg s0  }
0x6: {  	s4 =	stileid.u32;
	[smem:$0x7FF] =	sst s2  }
0x7: {  	s31 =	sand.u32 $0x1, s3;
	s8 =	sshll.u32 s4, $0xA;
	p0 =	sne.s32 s4, $0x0  }
0x8: {  	_ =	strace $0x80000047;
	s9 =	sshll.u32 s31, $0x9;
	s3 =	sshrl.u32 @!p0 s1, $0x3  }
0x9: {  	s4 =	simm.s32 @!p0 $0x1C09;
	s5 =	simm.s32 @!p0 $0x9;
	s7 =	rddreg [dreg:$0x5]  }
0xa: {  	[spmem:s3], [sflag:s4] =	dma.local @!p0 [hbm:s7], $0x640  }
0xb: {  	s20 =	sor.u32 s9, s8;
	_ =	swait.ge @!p0 [sflag:s5], $0x640  }
0xc: {  	s26 =	sshrl.u32 s20, $0x3;
	[sflag:s5] =	ssyncset.done @!p0 $0x0  }
0xd: {  	s6 =	sadd.s32 s6, s26;
	[sflag:s5] =	ssyncadd.s32 @!p0 $0xFFFFF9C0  }
0xe: {  	[tilespmem:s2], [sflag:$0x8] =	stream.linear.gather [hbm4b:s6+s2], $0x200, $0x38;
	[tilespmem:$0x10520] =	vst v63  }
0xf: {  	s7 =	simm.s32 $0x8;
	[bflag:$0x0] =	sbarrier.arrive $0xFFFF  }
0x10: {  	_ =	swait.ge [sflag:s7], $0x200  }
0x11: {  	[sflag:s7] =	ssyncset.done $0x0  }
0x12: {  	s8 =	simm.s32 $0x20;
	s9 =	simm.s32 $0x520;
	[sflag:s7] =	ssyncadd.s32 $0xFFFFFE00  }
0x13: {  	[tilespmem:s9], [sflag:$0x1] =	stream.indirect.gather [spmem:s1], $0x80, s2, s8, $0xb8;
	[tilespmem:$0x10520] =	vst v63  }
0x14: {  	s10 =	simm.s32 $0x60;
	s11 =	simm.s32 $0x1520  }
0x15: {  	[tilespmem:s11], [sflag:$0x2] =	stream.indirect.gather [spmem:s1], $0x80, s8, s10, $0xb8;
	[tilespmem:$0x10520] =	vst v63  }
0x16: {  	s12 =	simm.s32 $0x80;
	s13 =	simm.s32 $0x4520  }
0x17: {  	[tilespmem:s13], [sflag:$0x3] =	stream.indirect.gather [spmem:s1], $0x80, s12, s12, $0xb8;
	[tilespmem:$0x10520] =	vst v63  }
0x18: {  	s14 =	simm.s32 $0x100;
	s15 =	simm.s32 $0x8520  }
0x19: {  	[tilespmem:s15], [sflag:$0x4] =	stream.indirect.gather [spmem:s1], $0x80, s14, s12, $0xb8;
	[tilespmem:$0x10520] =	vst v63  }
0x1a: {  	s16 =	simm.s32 $0x180;
	s17 =	simm.s32 $0xC520;
	s18 =	simm.s32 $0x1  }
0x1b: {  	[tilespmem:s17], [sflag:$0x5] =	stream.indirect.gather [spmem:s1], $0x80, s16, s12, $0xb8;
	[tilespmem:$0x10520] =	vst v63  }
0x1c: {  	_ =	swait.ge [sflag:s18], $0x1000  }
0x1d: {  	s20 =	sshll.u32 s20, $0x4;
	[sflag:s18] =	ssyncset.done $0x0  }
0x1e: {  	s19 =	sadd.s32 s19, s20;
	s20 =	simm.s32 $0x2;
	[sflag:s18] =	ssyncadd.s32 $0xFFFFF000  }
0x1f: {  	[hbm4b:s19+s2] =	stream.linear.scatter [tilespmem:s9], [sflag:$0x6], $0x1000, $0x38;
	[tilespmem:$0x10520] =	vst v63  }
0x20: {  	_ =	swait.ge [sflag:s20], $0x3000  }
0x21: {  	[sflag:s20] =	ssyncset.done $0x0  }
0x22: {  	s22 =	simm.s32 $0x3;
	s21 =	sadd.s32 $0x200, s19;
	[sflag:s20] =	ssyncadd.s32 $0xFFFFD000  }
0x23: {  	[hbm4b:s21+s2] =	stream.linear.scatter [tilespmem:s11], [sflag:$0x7], $0x3000, $0x38;
	[tilespmem:$0x10520] =	vst v63  }
0x24: {  	_ =	swait.ge [sflag:s22], $0x4000  }
0x25: {  	[sflag:s22] =	ssyncset.done $0x0  }
0x26: {  	s24 =	simm.s32 $0x4;
	s23 =	sadd.s32 $0x800, s19;
	[sflag:s22] =	ssyncadd.s32 $0xFFFFC000  }
0x27: {  	[hbm4b:s23+s2] =	stream.linear.scatter [tilespmem:s13], [sflag:$0x6], $0x4000, $0x38;
	[tilespmem:$0x10520] =	vst v63  }
0x28: {  	_ =	swait.ge [sflag:s24], $0x4000  }
0x29: {  	[sflag:s24] =	ssyncset.done $0x0  }
0x2a: {  	s26 =	simm.s32 $0x5;
	s25 =	sadd.s32 $0x1000, s19;
	[sflag:s24] =	ssyncadd.s32 $0xFFFFC000  }
0x2b: {  	[hbm4b:s25+s2] =	stream.linear.scatter [tilespmem:s15], [sflag:$0x7], $0x4000, $0x38;
	[tilespmem:$0x10520] =	vst v63  }
0x2c: {  	_ =	swait.ge [sflag:s26], $0x4000  }
0x2d: {  	[sflag:s26] =	ssyncset.done $0x0  }
0x2e: {  	s28 =	simm.s32 $0x6;
	s29 =	sadd.s32 $0x1800, s19;
	[sflag:s26] =	ssyncadd.s32 $0xFFFFC000  }
0x2f: {  	[hbm4b:s29+s2] =	stream.linear.scatter [tilespmem:s17], [sflag:$0x6], $0x4000, $0x38;
	[tilespmem:$0x10520] =	vst v63  }
0x30: {  	_ =	swait.ge [sflag:s28], $0x1000  }
0x31: {  	[sflag:s28] =	ssyncset.done $0x0  }
0x32: {  	s30 =	simm.s32 $0x7;
	s31 =	ssub.s32 $0x2, s31;
	[sflag:s28] =	ssyncadd.s32 $0xFFFFF000  }
0x33: {  	s0 =	sshrl.u32 s31, $0x1;
	_ =	swait.ge [sflag:s30], $0x3000  }
0x34: {  	s0 =	ssub.s32 s31, s0;
	[sflag:s30] =	ssyncset.done $0x0  }
0x35: {  	s0 =	smax.u32 s0, $0x1;
	[sflag:s30] =	ssyncadd.s32 $0xFFFFD000  }
0x36: {  	s31 =	sadd.s32 $0xFFFFFFFF, s0;
	_ =	swait.ge [sflag:s28], $0x4000  }
0x37: {  	p1 =	sne.s32 s31, $0x0;
	[sflag:s28] =	ssyncset.done $0x0  }
.Ltmp0:
0x38: {  	[sflag:s28] =	ssyncadd.s32 $0xFFFFC000;
	(pc) =	sbr.rel @!p1 .LBB2_2-.Ltmp0, $4  }
0x39: {  	_ =	swait.ge [sflag:s30], $0x4000  }
0x3a: {  	[sflag:s30] =	ssyncset.done $0x0  }
0x3b: {  	[sflag:s30] =	ssyncadd.s32 $0xFFFFC000  }
0x3c: {  	_ =	swait.ge [sflag:s28], $0x4000  }
.LBB2_1:
0x3d: {  	[sflag:s28] =	ssyncset.done $0x0  }
0x3e: {  	s0 =	rddreg [dreg:$0x5];
	[sflag:s28] =	ssyncadd.s32 $0xFFFFC000  }
0x3f: {  	[spmem:s3], [sflag:s4] =	dma.local @!p0 [hbm:s0], $0x640  }
0x40: {  	_ =	swait.ge @!p0 [sflag:s5], $0x640  }
0x41: {  	[sflag:s5] =	ssyncset.done @!p0 $0x0  }
0x42: {  	[sflag:s5] =	ssyncadd.s32 @!p0 $0xFFFFF9C0  }
0x43: {  	[tilespmem:s2], [sflag:$0x8] =	stream.linear.gather [hbm4b:s6+s2], $0x200, $0x38;
	[tilespmem:$0x10520] =	vst v63  }
0x44: {  	[bflag:$0x0] =	sbarrier.arrive $0xFFFF  }
0x45: {  	_ =	swait.ge [sflag:s7], $0x200  }
0x46: {  	[sflag:s7] =	ssyncset.done $0x0  }
0x47: {  	[sflag:s7] =	ssyncadd.s32 $0xFFFFFE00  }
0x48: {  	[tilespmem:s9], [sflag:$0x1] =	stream.indirect.gather [spmem:s1], $0x80, s2, s8, $0xb8;
	[tilespmem:$0x10520] =	vst v63  }
0x49: {  	_ = 	snop  }
0x4a: {  	[tilespmem:s11], [sflag:$0x2] =	stream.indirect.gather [spmem:s1], $0x80, s8, s10, $0xb8;
	[tilespmem:$0x10520] =	vst v63  }
0x4b: {  	_ = 	snop  }
0x4c: {  	[tilespmem:s13], [sflag:$0x3] =	stream.indirect.gather [spmem:s1], $0x80, s12, s12, $0xb8;
	[tilespmem:$0x10520] =	vst v63  }
0x4d: {  	_ = 	snop  }
0x4e: {  	[tilespmem:s15], [sflag:$0x4] =	stream.indirect.gather [spmem:s1], $0x80, s14, s12, $0xb8;
	[tilespmem:$0x10520] =	vst v63  }
0x4f: {  	_ = 	snop  }
0x50: {  	[tilespmem:s17], [sflag:$0x5] =	stream.indirect.gather [spmem:s1], $0x80, s16, s12, $0xb8;
	[tilespmem:$0x10520] =	vst v63  }
0x51: {  	_ =	swait.ge [sflag:s18], $0x1000  }
0x52: {  	[sflag:s18] =	ssyncset.done $0x0  }
0x53: {  	[sflag:s18] =	ssyncadd.s32 $0xFFFFF000  }
0x54: {  	[hbm4b:s19+s2] =	stream.linear.scatter [tilespmem:s9], [sflag:$0x6], $0x1000, $0x38;
	[tilespmem:$0x10520] =	vst v63  }
0x55: {  	_ =	swait.ge [sflag:s20], $0x3000  }
0x56: {  	[sflag:s20] =	ssyncset.done $0x0  }
0x57: {  	[sflag:s20] =	ssyncadd.s32 $0xFFFFD000  }
0x58: {  	[hbm4b:s21+s2] =	stream.linear.scatter [tilespmem:s11], [sflag:$0x7], $0x3000, $0x38;
	[tilespmem:$0x10520] =	vst v63  }
0x59: {  	_ =	swait.ge [sflag:s22], $0x4000  }
0x5a: {  	[sflag:s22] =	ssyncset.done $0x0  }
0x5b: {  	[sflag:s22] =	ssyncadd.s32 $0xFFFFC000  }
0x5c: {  	[hbm4b:s23+s2] =	stream.linear.scatter [tilespmem:s13], [sflag:$0x6], $0x4000, $0x38;
	[tilespmem:$0x10520] =	vst v63  }
0x5d: {  	_ =	swait.ge [sflag:s24], $0x4000  }
0x5e: {  	[sflag:s24] =	ssyncset.done $0x0  }
0x5f: {  	[sflag:s24] =	ssyncadd.s32 $0xFFFFC000  }
0x60: {  	[hbm4b:s25+s2] =	stream.linear.scatter [tilespmem:s15], [sflag:$0x7], $0x4000, $0x38;
	[tilespmem:$0x10520] =	vst v63  }
0x61: {  	_ =	swait.ge [sflag:s26], $0x4000  }
0x62: {  	[sflag:s26] =	ssyncset.done $0x0  }
0x63: {  	[sflag:s26] =	ssyncadd.s32 $0xFFFFC000  }
0x64: {  	[hbm4b:s29+s2] =	stream.linear.scatter [tilespmem:s17], [sflag:$0x6], $0x4000, $0x38;
	[tilespmem:$0x10520] =	vst v63  }
0x65: {  	_ =	swait.ge [sflag:s28], $0x1000  }
0x66: {  	[sflag:s28] =	ssyncset.done $0x0  }
0x67: {  	[sflag:s28] =	ssyncadd.s32 $0xFFFFF000  }
0x68: {  	_ =	swait.ge [sflag:s30], $0x3000  }
0x69: {  	[sflag:s30] =	ssyncset.done $0x0  }
0x6a: {  	[sflag:s30] =	ssyncadd.s32 $0xFFFFD000  }
0x6b: {  	s31 =	sadd.s32 $0xFFFFFFFF, s31;
	_ =	swait.ge [sflag:s28], $0x4000  }
0x6c: {  	p1 =	sne.s32 s31, $0x0;
	[sflag:s28] =	ssyncset.done $0x0  }
.Ltmp1:
0x6d: {  	[sflag:s28] =	ssyncadd.s32 $0xFFFFC000;
	(pc) =	sbr.rel @p1 .LBB2_1-.Ltmp1, $4  }
0x6e: {  	_ =	swait.ge [sflag:s30], $0x4000  }
0x6f: {  	[sflag:s30] =	ssyncset.done $0x0  }
0x70: {  	[sflag:s30] =	ssyncadd.s32 $0xFFFFC000  }
0x71: {  	_ =	swait.ge [sflag:s28], $0x4000  }
.LBB2_2:
0x72: {  	[sflag:s28] =	ssyncset.done $0x0  }
0x73: {  	[sflag:s28] =	ssyncadd.s32 $0xFFFFC000  }
0x74: {  	_ =	sfence.sel $0x180000  }
0x75: {  	[bflag:$0x0] =	sbarrier.arrive $0xFFFF  }
0x76: {  	_ =	strace $0x90000047  }
0x77: {  	[bflag:$0x2] =	sbarrier.arrive $0xFFFF  }
0x78: {  	s0 =	rddreg [dreg:$0x4]  }
0x79: {  	s0 =	sadd.s32 @!p0 $0x100000, s0  }
0x7a: {  	[sflag:s0] =	ssyncadd.tile.s32 @!p0 $0x1;
	_ =	shalt  }
.Lfunc_end2:
_tile_overlayer_lowered:
.L_overlay_start_2:
0x7b: {  	(tag) =	ssettag $0x2  }
0x7c: {  	s0 =	rddreg [dreg:$0x0];
	s2 =	stileid.u32  }
0x7d: {  	s1 =	rddreg [dreg:$0x1];
	p0 =	sne.s32 s2, $0x0  }
0x7e: {  	s3 =	rddreg [dreg:$0x2];
	[bflag:$0x3] =	sbarrier.arrive $0xFFFF;
	s2 =	simm.s32 @!p0 $0x1C09  }
0x7f: {  	[timem:s3], [sflag:s2] =	dma.local @!p0 [hbm:s0], s1  }
0x80: {  	s0 =	simm.s32 @!p0 $0x9  }
0x81: {  	_ =	swait.ge @!p0 [sflag:s0], s1  }
0x82: {  	s1 =	ssub.s32 @!p0 $0x0, s1;
	[sflag:s0] =	ssyncset.done @!p0 $0x0  }
0x83: {  	[sflag:s0] =	ssyncadd.s32 @!p0 s1  }
0x84: {  	[bflag:$0x3] =	sbarrier.arrive $0xFFFF  }
0x85: {  	_ =	shalt  }

</sc_bundles>
